<compile_context>
chip_gen: v7x
topology: tpu7x:2x2x1
jax: 0.10.2.dev20260603
libtpu: 0.0.44.dev20260713+nightly
codegen_flags: <defaults>
</compile_context>

<pallas_src>
import functools

import jax
import jax.numpy as jnp
from jax import lax
from jax.experimental import pallas as pl
from jax.experimental.pallas import tpu as pltpu
from jax.experimental.pallas import tpu_sc as plsc

N = 10000
HID = 64
NC, NS, L = 2, 16, 16
NW = NC * NS
NPAD = 10240
CH = 128
ROWS_PER_TILE = NPAD // NS
NBUF = 8
GRP = 4


def _mesh():
    return plsc.VectorSubcoreMesh(core_axis_name="c", subcore_axis_name="s")


N2 = N // 2
XPW = 8 * (-(-N2 // (NW * 8)))
XREM = N2 - (NW - 1) * XPW
D_IN = 128


@functools.partial(jax.jit, static_argnums=(2,))
def _sc_hist(ei3, x, cap):
    @functools.partial(
        pl.kernel,
        out_type=[jax.ShapeDtypeStruct((NW * NPAD,), jnp.float32),
                  jax.ShapeDtypeStruct((N2, D_IN), jnp.float32),
                  jax.ShapeDtypeStruct((N2, D_IN), jnp.float32)],
        mesh=_mesh(),
        scratch_types=[
            pltpu.VMEM((NPAD,), jnp.float32),
            pltpu.VMEM((cap, CH), jnp.int32),
            pltpu.VMEM((XPW,), jnp.int32),
            pltpu.VMEM((XPW,), jnp.int32),
            pltpu.VMEM((XPW, D_IN), jnp.float32),
            pltpu.VMEM((XPW, D_IN), jnp.float32),
            pltpu.SemaphoreType.DMA,
        ],
        compiler_params=pltpu.CompilerParams(needs_layout_passes=False),
    )
    def hist_k(ei_hbm, x_hbm, out_hbm, xe_hbm, xo_hbm,
               hist_v, idx_v, ridx_e, ridx_o, xe_b, xo_b, sem):
        cid = lax.axis_index("c")
        sid = lax.axis_index("s")
        wid = cid * NS + sid
        base = wid * XPW
        last = wid == NW - 1

        def ib(j, carry):
            it = lax.iota(jnp.int32, L) + (j * L + base)
            ridx_e[pl.ds(j * L, L)] = it * 2
            ridx_o[pl.ds(j * L, L)] = it * 2 + 1
            return carry

        lax.fori_loop(0, XPW // L, ib, 0)

        @pl.when(jnp.logical_not(last))
        def _():
            pltpu.async_copy(x_hbm.at[ridx_e], xe_b, sem)
            pltpu.async_copy(x_hbm.at[ridx_o], xo_b, sem)

        @pl.when(last)
        def _():
            pltpu.async_copy(x_hbm.at[ridx_e.at[pl.ds(0, XREM)]],
                             xe_b.at[pl.ds(0, XREM)], sem)
            pltpu.async_copy(x_hbm.at[ridx_o.at[pl.ds(0, XREM)]],
                             xo_b.at[pl.ds(0, XREM)], sem)

        def zbody(i, carry):
            hist_v[pl.ds(i * L, L)] = jnp.zeros((L,), jnp.float32)
            return carry

        lax.fori_loop(0, NPAD // L, zbody, 0)
        pltpu.sync_copy(ei_hbm.at[1, pl.ds(wid * cap, cap)], idx_v)

        ones = jnp.ones((L,), jnp.float32)

        def cbody(k, carry):
            for j in range(CH // L):
                idx = idx_v[k, pl.ds(j * L, L)]
                addr = (idx & 1) * (NPAD // 2) + (idx >> 1)
                plsc.addupdate_scatter(hist_v, [addr], ones)
            return carry

        lax.fori_loop(0, cap, cbody, 0)
        pltpu.sync_copy(hist_v, out_hbm.at[pl.ds(wid * NPAD, NPAD)])

        @pl.when(jnp.logical_not(last))
        def _():
            pltpu.make_async_copy(x_hbm.at[ridx_e], xe_b, sem).wait()
            pltpu.make_async_copy(x_hbm.at[ridx_o], xo_b, sem).wait()
            pltpu.sync_copy(xe_b, xe_hbm.at[pl.ds(base, XPW)])
            pltpu.sync_copy(xo_b, xo_hbm.at[pl.ds(base, XPW)])

        @pl.when(last)
        def _():
            pltpu.make_async_copy(x_hbm.at[ridx_e.at[pl.ds(0, XREM)]],
                                  xe_b.at[pl.ds(0, XREM)], sem).wait()
            pltpu.make_async_copy(x_hbm.at[ridx_o.at[pl.ds(0, XREM)]],
                                  xo_b.at[pl.ds(0, XREM)], sem).wait()
            pltpu.sync_copy(xe_b.at[pl.ds(0, XREM)],
                            xe_hbm.at[pl.ds(base, XREM)])
            pltpu.sync_copy(xo_b.at[pl.ds(0, XREM)],
                            xo_hbm.at[pl.ds(base, XREM)])

    hist, xe, xo = hist_k(ei3, x)
    return hist.reshape(NW, NPAD), xe, xo


@functools.partial(jax.jit, static_argnums=(2,))
def _sc_scatter(u, ei3, cap):
    n_groups = cap // GRP

    @functools.partial(
        pl.kernel,
        out_type=jax.ShapeDtypeStruct((NC * NPAD, HID), jnp.float32),
        mesh=_mesh(),
        scratch_types=[
            pltpu.VMEM_SHARED((NPAD, HID), jnp.float32),
            pltpu.VMEM((cap, CH), jnp.int32),
            pltpu.VMEM((cap, CH), jnp.int32),
        ] + [pltpu.VMEM((CH, HID), jnp.float32) for _ in range(NBUF)] + [
            pltpu.SemaphoreType.DMA,
            pltpu.SemaphoreType.DMA,
        ],
        compiler_params=pltpu.CompilerParams(use_tc_tiling_on_sc=False),
    )
    def scat_k(u_hbm, ei_hbm, out_hbm, acc_sh, idx_s, idx_d, *rest):
        rows = rest[:NBUF]
        gsem, ssem = rest[NBUF], rest[NBUF + 1]
        cid = lax.axis_index("c")
        sid = lax.axis_index("s")
        wid = cid * NS + sid

        def zb(i, carry):
            rows[0][i, pl.ds(0, L)] = jnp.zeros((L,), jnp.float32)
            rows[0][i, pl.ds(L, L)] = jnp.zeros((L,), jnp.float32)
            rows[0][i, pl.ds(2 * L, L)] = jnp.zeros((L,), jnp.float32)
            rows[0][i, pl.ds(3 * L, L)] = jnp.zeros((L,), jnp.float32)
            return carry

        lax.fori_loop(0, CH, zb, 0)

        def zcopy(t, carry):
            pltpu.sync_copy(rows[0],
                            acc_sh.at[pl.ds(sid * ROWS_PER_TILE + t * CH, CH)])
            return carry

        lax.fori_loop(0, ROWS_PER_TILE // CH, zcopy, 0)

        pltpu.sync_copy(ei_hbm.at[0, pl.ds(wid * cap, cap)], idx_s)
        pltpu.sync_copy(ei_hbm.at[1, pl.ds(wid * cap, cap)], idx_d)
        plsc.subcore_barrier()

        def gather(k):
            pltpu.async_copy(u_hbm.at[idx_s.at[k]], rows[k % NBUF], gsem)

        def gather_wait(k):
            pltpu.make_async_copy(u_hbm.at[idx_s.at[k]], rows[k % NBUF],
                                  gsem).wait()

        def scat(k):
            pltpu.async_copy(rows[k % NBUF], acc_sh.at[idx_d.at[k]],
                             ssem, add=True)

        def scat_wait(k):
            pltpu.make_async_copy(rows[k % NBUF], acc_sh.at[idx_d.at[k]],
                                  ssem).wait()

        for j in range(GRP):
            gather(j)
        for g in range(n_groups):
            ks = [g * GRP + j for j in range(GRP)]
            for k in ks:
                gather_wait(k)
            for k in ks:
                if k + GRP < cap:
                    gather(k + GRP)
            for k in ks:
                scat(k)
            for k in ks:
                scat_wait(k)

        plsc.subcore_barrier()
        pltpu.sync_copy(
            acc_sh.at[pl.ds(sid * ROWS_PER_TILE, ROWS_PER_TILE)],
            out_hbm.at[pl.ds(cid * NPAD + sid * ROWS_PER_TILE,
                             ROWS_PER_TILE)])

    return scat_k(u, ei3)


PN2 = NC * NPAD // 2


def _tc_prep(xe, xo, W1, hist):
    def body(xe_ref, xo_ref, w_ref, h_ref, u_ref, dinvp_ref):
        dinv = lax.rsqrt(jnp.sum(h_ref[...], axis=0) + 1.0)
        dinv_e = dinv[0:N2].reshape(N2, 1)
        dinv_o = dinv[NPAD // 2:NPAD // 2 + N2].reshape(N2, 1)
        he = jnp.dot(xe_ref[...] * dinv_e, w_ref[...],
                     preferred_element_type=jnp.float32)
        ho = jnp.dot(xo_ref[...] * dinv_o, w_ref[...],
                     preferred_element_type=jnp.float32)
        u_ref[...] = jnp.concatenate([he, ho], axis=1)
        dinvp_ref[...] = jnp.concatenate(
            [jnp.broadcast_to(dinv_e, (N2, HID)),
             jnp.broadcast_to(dinv_o, (N2, HID))], axis=1)

    return pl.pallas_call(
        body,
        out_shape=[jax.ShapeDtypeStruct((N2, 2 * HID), jnp.float32),
                   jax.ShapeDtypeStruct((N2, 2 * HID), jnp.float32)],
    )(xe, xo, W1, hist)


def _tc_mid(p, u0, dinvp, b1p, W2p):
    def body(p_ref, u_ref, dinvp_ref, b_ref, w_ref, out_ref):
        dinvp = dinvp_ref[...]
        psum = p_ref[0:N2, :] + p_ref[NPAD // 2:NPAD // 2 + N2, :]
        h0 = dinvp * (psum + u_ref[...]) + b_ref[...]
        h0 = jnp.maximum(h0, 0.0)
        out_ref[...] = dinvp * jnp.dot(h0, w_ref[...],
                                       preferred_element_type=jnp.float32)

    return pl.pallas_call(
        body,
        out_shape=jax.ShapeDtypeStruct((N2, 2 * HID), jnp.float32),
    )(p, u0, dinvp, b1p, W2p)


def _tc_final(p, u1, dinvp, b2p, W3, b3, W4, b4, W5, b5):
    def body(p_ref, u_ref, dinvp_ref, b2_ref, w3_ref, b3_ref,
             w4_ref, b4_ref, w5_ref, b5_ref, out_ref):
        psum = p_ref[0:N2, :] + p_ref[NPAD // 2:NPAD // 2 + N2, :]
        h1 = dinvp_ref[...] * (psum + u_ref[...]) + b2_ref[...]
        m128 = jnp.mean(h1, axis=0, keepdims=True)
        mean = (m128[:, :HID] + m128[:, HID:]) * 0.5
        mx128 = jnp.max(h1, axis=0, keepdims=True)
        mx = jnp.maximum(mx128[:, :HID], mx128[:, HID:])
        z64 = jnp.zeros_like(mean)
        mve = jnp.concatenate([mean, z64], axis=1).reshape(2 * HID, 1)
        mvo = jnp.concatenate([z64, mean], axis=1).reshape(2 * HID, 1)
        le = jnp.dot(h1, mve, preferred_element_type=jnp.float32)
        lo = jnp.dot(h1, mvo, preferred_element_type=jnp.float32)
        m = jnp.maximum(jnp.max(le, axis=0, keepdims=True),
                        jnp.max(lo, axis=0, keepdims=True))
        ee = jnp.exp(le - m)
        eo = jnp.exp(lo - m)
        z = jnp.sum(ee, axis=0, keepdims=True) + \
            jnp.sum(eo, axis=0, keepdims=True)
        attw = jnp.concatenate(
            [jnp.broadcast_to(ee / z, (N2, HID)),
             jnp.broadcast_to(eo / z, (N2, HID))], axis=1)
        ap128 = jnp.sum(h1 * attw, axis=0, keepdims=True)
        attp = ap128[:, :HID] + ap128[:, HID:]
        comb = jnp.concatenate([mean, mx, attp], axis=1)
        g = jnp.maximum(
            jnp.dot(comb, w3_ref[...], preferred_element_type=jnp.float32)
            + b3_ref[...], 0.0)
        g = jnp.maximum(
            jnp.dot(g, w4_ref[...], preferred_element_type=jnp.float32)
            + b4_ref[...], 0.0)
        out_ref[...] = jnp.dot(g, w5_ref[...],
                               preferred_element_type=jnp.float32) + b5_ref[...]

    return pl.pallas_call(
        body,
        out_shape=jax.ShapeDtypeStruct((1, 128), jnp.float32),
    )(p, u1, dinvp, b2p, W3, b3, W4, b4, W5, b5)


def kernel(x, edge_index, W1, b1, W2, b2, W3, b3, W4, b4, W5, b5):
    E = edge_index.shape[1]
    tot_ch = E // CH
    align = 8 * GRP // (2 if GRP % 2 == 0 else 1)
    cap = -(-(-(-tot_ch // NW)) // align) * align
    ei3 = edge_index.reshape(2, tot_ch, CH)
    n_pad_ch = NW * cap - tot_ch
    if n_pad_ch:
        lin = jnp.arange(n_pad_ch * CH, dtype=edge_index.dtype)
        pad_dst = (N + lin % (NPAD - N)).reshape(1, n_pad_ch, CH)
        pad_src = ((lin * 79) % N).reshape(1, n_pad_ch, CH)
        ei3 = jnp.concatenate(
            [ei3, jnp.concatenate([pad_src, pad_dst], axis=0)], axis=1)

    hist, xe, xo = _sc_hist(ei3, x, cap)
    u0p, dinvp = _tc_prep(xe, xo, W1, hist)
    p = _sc_scatter(u0p.reshape(N, HID), ei3, cap)
    W2p = jnp.zeros((2 * HID, 2 * HID), W2.dtype)
    W2p = W2p.at[:HID, :HID].set(W2).at[HID:, HID:].set(W2)
    b1p = jnp.tile(b1, 2).reshape(1, 2 * HID)
    u1p = _tc_mid(p.reshape(PN2, 2 * HID), u0p, dinvp, b1p, W2p)
    p2 = _sc_scatter(u1p.reshape(N, HID), ei3, cap)
    out = _tc_final(p2.reshape(PN2, 2 * HID), u1p, dinvp,
                    jnp.tile(b2, 2).reshape(1, 2 * HID),
                    W3, b3.reshape(1, -1), W4, b4.reshape(1, -1),
                    W5, b5.reshape(1, -1))
    return out

# --- scband reference (transcript-rebuilt; emitter-appended) ---
"""Pipeline reference for scband-graph-neural-network-31963146617551 (READ-ONLY COPY).

The authoritative reference and input builder live on the scoring server;
editing this copy changes nothing except your own understanding.
"""

import jax, jax.numpy as jnp
import numpy as np

N = 10000
E = 320000
D_IN = 128
HID = 64
OUT = 128
MLP_IN = HID * 3


def gcn_conv(x, src, dst, W, b):
    n = x.shape[0]
    h = x @ W
    loop = jnp.arange(n, dtype=src.dtype)
    s = jnp.concatenate([src, loop])
    d = jnp.concatenate([dst, loop])
    deg = jnp.zeros((n,), h.dtype).at[d].add(1.0)
    dinv = jnp.where(deg > 0, deg ** -0.5, 0.0)
    norm = dinv[s] * dinv[d]
    msg = h[s] * norm[:, None]
    out = jnp.zeros((n, h.shape[1]), h.dtype).at[d].add(msg)
    return out + b


def setup_inputs(seed: int = 0) -> dict:
    key = jax.random.key(seed)
    ks = jax.random.split(key, 12)
    x = jax.random.normal(ks[0], (N, D_IN), dtype=jnp.float32)
    edge_index = jax.random.randint(ks[1], (2, E), 0, N, dtype=jnp.int32)
    def lin(k, fi, fo):
        k1, k2 = jax.random.split(k)
        bound = 1.0 / np.sqrt(fi)
        W = jax.random.uniform(k1, (fi, fo), jnp.float32, -bound, bound)
        b = jax.random.uniform(k2, (fo,), jnp.float32, -bound, bound)
        return W, b
    W1, b1 = lin(ks[2], D_IN, HID)
    W2, b2 = lin(ks[3], HID, HID)
    W3, b3 = lin(ks[4], MLP_IN, HID * 2)
    W4, b4 = lin(ks[5], HID * 2, HID)
    W5, b5 = lin(ks[6], HID, OUT)
    return {"x": x, "edge_index": edge_index, "W1": W1, "b1": b1, "W2": W2, "b2": b2, "W3": W3, "b3": b3, "W4": W4, "b4": b4, "W5": W5, "b5": b5}


def reference(x, edge_index, W1, b1, W2, b2, W3, b3, W4, b4, W5, b5):
    src, dst = edge_index[0], edge_index[1]
    # layer 0 (GCNConv) + ReLU (dropout is identity in eval mode)
    h = gcn_conv(x, src, dst, W1, b1)
    h = jax.nn.relu(h)
    # layer 1 (GCNConv)
    h = gcn_conv(h, src, dst, W2, b2)
    # pooling: mean, max, attention
    mean_pool = jnp.mean(h, axis=0)
    max_pool = jnp.max(h, axis=0)
    att = jax.nn.softmax(jnp.sum(h * mean_pool[None, :], axis=1), axis=0)
    att_pool = jnp.sum(h * att[:, None], axis=0)
    comb = jnp.concatenate([mean_pool, max_pool, att_pool], axis=0)
    # graph MLP
    g = jax.nn.relu(comb @ W3 + b3)
    g = jax.nn.relu(g @ W4 + b4)
    g = g @ W5 + b5
    return g[None, :]

if __name__ == "__main__":
    import jax
    _d = setup_inputs()
    print(jax.jit(kernel)(*tuple(_d.values())))

</pallas_src>

<mosaic_0001>
#map = affine_map<(d0, d1) -> (0, 0, 0)>
#map1 = affine_map<(d0, d1) -> (0, 0)>
#map2 = affine_map<(d0, d1) -> (0)>
module attributes {stable_mosaic.version = 14 : i64} {
  func.func @hist_k(%arg0: i32, %arg1: i32, %arg2: memref<2x2560x128xi32, #tpu.memory_space<hbm>>, %arg3: memref<10000x128xf32, #tpu.memory_space<hbm>>, %arg4: memref<327680xf32, #tpu.memory_space<hbm>>, %arg5: memref<5000x128xf32, #tpu.memory_space<hbm>>, %arg6: memref<5000x128xf32, #tpu.memory_space<hbm>>, %arg7: memref<10240xf32, #tpu.memory_space<vmem>>, %arg8: memref<80x128xi32, #tpu.memory_space<vmem>>, %arg9: memref<160xi32, #tpu.memory_space<vmem>>, %arg10: memref<160xi32, #tpu.memory_space<vmem>>, %arg11: memref<160x128xf32, #tpu.memory_space<vmem>>, %arg12: memref<160x128xf32, #tpu.memory_space<vmem>>, %arg13: memref<!tpu.dma_semaphore, #tpu.memory_space<semaphore_mem>>) attributes {dimension_semantics = [#tpu.dimension_semantics<core_parallel>, #tpu.dimension_semantics<subcore_parallel>], iteration_bounds = array<i64: 2, 16>, scalar_prefetch = 0 : i64, scratch_operands = 7 : i64, tpu.core_type = #tpu.core_type<sc_vector_subcore>, window_params = [{transform_indices = #map}, {transform_indices = #map1}, {transform_indices = #map2}, {transform_indices = #map1}, {transform_indices = #map1}]} {
    %mul3A = arith.constant 16 : i32
    %mul3A_0 = arith.muli %arg0, %mul3A : i32
    %add3A = arith.addi %mul3A_0, %arg1 : i32
    %mul3A_1 = arith.constant 160 : i32
    %mul3A_2 = arith.muli %add3A, %mul3A_1 : i32
    %eq3A = arith.constant 31 : i32
    %eq3A_3 = arith.cmpi eq, %add3A, %eq3A : i32
    %scan3A = arith.constant 0 : i32
    %scan3A_4 = arith.constant 0 : i32
    %scan3A_5 = arith.constant 10 : i32
    %scan3A_6 = arith.addi %scan3A_4, %scan3A_5 : i32
    %scan3A_7 = arith.constant 1 : i32
    scf.for %scan3A_39 = %scan3A_4 to %scan3A_6 step %scan3A_7  : i32 {
      %iota3A = tpu.iota {dimensions = array<i32: 0>} : vector<16xi32>
      %mul3A_40 = arith.constant 16 : i32
      %mul3A_41 = arith.muli %scan3A_39, %mul3A_40 : i32
      %add3A_42 = arith.addi %mul3A_41, %mul3A_2 : i32
      %add3A_43 = vector.broadcast %add3A_42 : i32 to vector<16xi32>
      %add3A_44 = arith.addi %iota3A, %add3A_43 : vector<16xi32>
      %mul3A_45 = arith.constant 2 : i32
      %mul3A_46 = vector.broadcast %mul3A_45 : i32 to vector<16xi32>
      %mul3A_47 = arith.muli %add3A_44, %mul3A_46 : vector<16xi32>
      %mul3A_48 = arith.constant 16 : i32
      %mul3A_49 = arith.muli %scan3A_39, %mul3A_48 : i32
      %swap3A = arith.index_cast %mul3A_49 : i32 to index
      %swap3A_50 = tpu.vector_load %arg9[%swap3A] {strides = array<i32>} : memref<160xi32, #tpu.memory_space<vmem>>, vector<16xi32>,
      tpu.vector_store %arg9[%swap3A], %mul3A_47 {strides = array<i32>} : memref<160xi32, #tpu.memory_space<vmem>>, vector<16xi32>,
      %mul3A_51 = arith.constant 2 : i32
      %mul3A_52 = vector.broadcast %mul3A_51 : i32 to vector<16xi32>
      %mul3A_53 = arith.muli %add3A_44, %mul3A_52 : vector<16xi32>
      %add3A_54 = arith.constant 1 : i32
      %add3A_55 = vector.broadcast %add3A_54 : i32 to vector<16xi32>
      %add3A_56 = arith.addi %mul3A_53, %add3A_55 : vector<16xi32>
      %mul3A_57 = arith.constant 16 : i32
      %mul3A_58 = arith.muli %scan3A_39, %mul3A_57 : i32
      %swap3A_59 = arith.index_cast %mul3A_58 : i32 to index
      %swap3A_60 = tpu.vector_load %arg10[%swap3A_59] {strides = array<i32>} : memref<160xi32, #tpu.memory_space<vmem>>, vector<16xi32>,
      tpu.vector_store %arg10[%swap3A_59], %add3A_56 {strides = array<i32>} : memref<160xi32, #tpu.memory_space<vmem>>, vector<16xi32>,
    }
    %scan3A_8 = arith.constant 10 : i32
    %not3A = arith.constant true
    %not3A_9 = arith.xori %eq3A_3, %not3A : i1
    %convert_element_type3A = arith.extui %not3A_9 : i1 to i32
    %cond3A = arith.constant 0 : i32
    %cond3A_10 = arith.cmpi ne, %convert_element_type3A, %cond3A : i32
    scf.if %cond3A_10 {
      %dma_start3A = arith.constant 0 : i32
      %dma_start3A_39 = arith.constant 0 : i32
      %dma_start3A_40 = tpu.memref_slice %arg3[%dma_start3A, %dma_start3A_39] : memref<10000x128xf32, #tpu.memory_space<hbm>> -> memref<10000x128xf32, #tpu.memory_space<hbm>>
      tpu.enqueue_indirect_dma source(%dma_start3A_40 : memref<10000x128xf32, #tpu.memory_space<hbm>>) target(%arg11 : memref<160x128xf32, #tpu.memory_space<vmem>>) offsets(%arg9 : memref<160xi32, #tpu.memory_space<vmem>>) semaphore(%arg13 : memref<!tpu.dma_semaphore, #tpu.memory_space<semaphore_mem>>)
      %dma_start3A_41 = arith.constant 0 : i32
      %dma_start3A_42 = arith.constant 0 : i32
      %dma_start3A_43 = tpu.memref_slice %arg3[%dma_start3A_41, %dma_start3A_42] : memref<10000x128xf32, #tpu.memory_space<hbm>> -> memref<10000x128xf32, #tpu.memory_space<hbm>>
      tpu.enqueue_indirect_dma source(%dma_start3A_43 : memref<10000x128xf32, #tpu.memory_space<hbm>>) target(%arg12 : memref<160x128xf32, #tpu.memory_space<vmem>>) offsets(%arg10 : memref<160xi32, #tpu.memory_space<vmem>>) semaphore(%arg13 : memref<!tpu.dma_semaphore, #tpu.memory_space<semaphore_mem>>)
    } else {
    }
    %convert_element_type3A_11 = arith.extui %eq3A_3 : i1 to i32
    %cond3A_12 = arith.constant 0 : i32
    %cond3A_13 = arith.cmpi ne, %convert_element_type3A_11, %cond3A_12 : i32
    scf.if %cond3A_13 {
      %dma_start3A = arith.constant 0 : i32
      %dma_start3A_39 = arith.constant 0 : i32
      %dma_start3A_40 = tpu.memref_slice %arg11[%dma_start3A, %dma_start3A_39] : memref<160x128xf32, #tpu.memory_space<vmem>> -> memref<40x128xf32, #tpu.memory_space<vmem>>
      %dma_start3A_41 = arith.constant 0 : i32
      %dma_start3A_42 = tpu.memref_slice %arg9[%dma_start3A_41] : memref<160xi32, #tpu.memory_space<vmem>> -> memref<40xi32, #tpu.memory_space<vmem>>
      %dma_start3A_43 = arith.constant 0 : i32
      %dma_start3A_44 = arith.constant 0 : i32
      %dma_start3A_45 = tpu.memref_slice %arg3[%dma_start3A_43, %dma_start3A_44] : memref<10000x128xf32, #tpu.memory_space<hbm>> -> memref<10000x128xf32, #tpu.memory_space<hbm>>
      tpu.enqueue_indirect_dma source(%dma_start3A_45 : memref<10000x128xf32, #tpu.memory_space<hbm>>) target(%dma_start3A_40 : memref<40x128xf32, #tpu.memory_space<vmem>>) offsets(%dma_start3A_42 : memref<40xi32, #tpu.memory_space<vmem>>) semaphore(%arg13 : memref<!tpu.dma_semaphore, #tpu.memory_space<semaphore_mem>>)
      %dma_start3A_46 = arith.constant 0 : i32
      %dma_start3A_47 = arith.constant 0 : i32
      %dma_start3A_48 = tpu.memref_slice %arg12[%dma_start3A_46, %dma_start3A_47] : memref<160x128xf32, #tpu.memory_space<vmem>> -> memref<40x128xf32, #tpu.memory_space<vmem>>
      %dma_start3A_49 = arith.constant 0 : i32
      %dma_start3A_50 = tpu.memref_slice %arg10[%dma_start3A_49] : memref<160xi32, #tpu.memory_space<vmem>> -> memref<40xi32, #tpu.memory_space<vmem>>
      %dma_start3A_51 = arith.constant 0 : i32
      %dma_start3A_52 = arith.constant 0 : i32
      %dma_start3A_53 = tpu.memref_slice %arg3[%dma_start3A_51, %dma_start3A_52] : memref<10000x128xf32, #tpu.memory_space<hbm>> -> memref<10000x128xf32, #tpu.memory_space<hbm>>
      tpu.enqueue_indirect_dma source(%dma_start3A_53 : memref<10000x128xf32, #tpu.memory_space<hbm>>) target(%dma_start3A_48 : memref<40x128xf32, #tpu.memory_space<vmem>>) offsets(%dma_start3A_50 : memref<40xi32, #tpu.memory_space<vmem>>) semaphore(%arg13 : memref<!tpu.dma_semaphore, #tpu.memory_space<semaphore_mem>>)
    } else {
    }
    %scan3A_14 = arith.constant 0 : i32
    %scan3A_15 = arith.constant 0 : i32
    %scan3A_16 = arith.constant 640 : i32
    %scan3A_17 = arith.addi %scan3A_15, %scan3A_16 : i32
    %scan3A_18 = arith.constant 1 : i32
    scf.for %scan3A_39 = %scan3A_15 to %scan3A_17 step %scan3A_18  : i32 {
      %broadcast_in_dim3A_40 = arith.constant 0.000000e+00 : f32
      %broadcast_in_dim3A_41 = vector.broadcast %broadcast_in_dim3A_40 : f32 to vector<16xf32>
      %mul3A_42 = arith.constant 16 : i32
      %mul3A_43 = arith.muli %scan3A_39, %mul3A_42 : i32
      %swap3A = arith.index_cast %mul3A_43 : i32 to index
      %swap3A_44 = tpu.vector_load %arg7[%swap3A] {strides = array<i32>} : memref<10240xf32, #tpu.memory_space<vmem>>, vector<16xf32>,
      tpu.vector_store %arg7[%swap3A], %broadcast_in_dim3A_41 {strides = array<i32>} : memref<10240xf32, #tpu.memory_space<vmem>>, vector<16xf32>,
    }
    %scan3A_19 = arith.constant 640 : i32
    %mul3A_20 = arith.constant 80 : i32
    %mul3A_21 = arith.muli %add3A, %mul3A_20 : i32
    %run_scoped3A = arith.constant 1 : i32
    "tpu.region"() ({
      %run_scoped3A_39 = tpu.sem_alloc : memref<!tpu.dma_semaphore, #tpu.memory_space<semaphore_mem>>
      %dma_start3A = arith.constant 0 : i32
      %dma_start3A_40 = tpu.memref_slice %arg2[%run_scoped3A, %mul3A_21, %dma_start3A] : memref<2x2560x128xi32, #tpu.memory_space<hbm>> -> memref<1x80x128xi32, #tpu.memory_space<hbm>>
      %dma_start3A_41 = tpu.memref_squeeze %dma_start3A_40 : memref<1x80x128xi32, #tpu.memory_space<hbm>> -> memref<80x128xi32, #tpu.memory_space<hbm>>
      %dma_start3A_42 = arith.constant 0 : i32
      %dma_start3A_43 = tpu.memref_slice %arg2[%run_scoped3A, %mul3A_21, %dma_start3A_42] : memref<2x2560x128xi32, #tpu.memory_space<hbm>> -> memref<1x80x128xi32, #tpu.memory_space<hbm>>
      %dma_start3A_44 = tpu.memref_squeeze %dma_start3A_43 : memref<1x80x128xi32, #tpu.memory_space<hbm>> -> memref<80x128xi32, #tpu.memory_space<hbm>>
      tpu.enqueue_dma source(%dma_start3A_44 : memref<80x128xi32, #tpu.memory_space<hbm>>) target(%arg8 : memref<80x128xi32, #tpu.memory_space<vmem>>) target_semaphore(%run_scoped3A_39 : memref<!tpu.dma_semaphore, #tpu.memory_space<semaphore_mem>>)
      %dma_wait3A = arith.constant 0 : i32
      %dma_wait3A_45 = tpu.memref_slice %arg2[%run_scoped3A, %mul3A_21, %dma_wait3A] : memref<2x2560x128xi32, #tpu.memory_space<hbm>> -> memref<1x80x128xi32, #tpu.memory_space<hbm>>
      %dma_wait3A_46 = tpu.memref_squeeze %dma_wait3A_45 : memref<1x80x128xi32, #tpu.memory_space<hbm>> -> memref<80x128xi32, #tpu.memory_space<hbm>>
      %dma_wait3A_47 = arith.constant 0 : i32
      %dma_wait3A_48 = tpu.memref_slice %arg2[%run_scoped3A, %mul3A_21, %dma_wait3A_47] : memref<2x2560x128xi32, #tpu.memory_space<hbm>> -> memref<1x80x128xi32, #tpu.memory_space<hbm>>
      %dma_wait3A_49 = tpu.memref_squeeze %dma_wait3A_48 : memref<1x80x128xi32, #tpu.memory_space<hbm>> -> memref<80x128xi32, #tpu.memory_space<hbm>>
      tpu.wait_dma2 semaphore(%run_scoped3A_39 : memref<!tpu.dma_semaphore, #tpu.memory_space<semaphore_mem>>) src(%dma_wait3A_49 : memref<80x128xi32, #tpu.memory_space<hbm>>) dst(%arg8 : memref<80x128xi32, #tpu.memory_space<vmem>>)
      tpu.yield
    }) : () -> ()
    %broadcast_in_dim3A = arith.constant 1.000000e+00 : f32
    %broadcast_in_dim3A_22 = vector.broadcast %broadcast_in_dim3A : f32 to vector<16xf32>
    %scan3A_23 = arith.constant 0 : i32
    %scan3A_24 = arith.constant 0 : i32
    %scan3A_25 = arith.constant 80 : i32
    %scan3A_26 = arith.addi %scan3A_24, %scan3A_25 : i32
    %scan3A_27 = arith.constant 1 : i32
    scf.for %scan3A_39 = %scan3A_24 to %scan3A_26 step %scan3A_27  : i32 {
      %get3A = arith.index_cast %scan3A_39 : i32 to index
      %get3A_40 = arith.constant 0 : index
      %get3A_41 = tpu.vector_load %arg8[%get3A, %get3A_40] {strides = array<i32>} : memref<80x128xi32, #tpu.memory_space<vmem>>, vector<16xi32>,
      %and3A = arith.constant 1 : i32
      %and3A_42 = vector.broadcast %and3A : i32 to vector<16xi32>
      %and3A_43 = arith.andi %get3A_41, %and3A_42 : vector<16xi32>
      %mul3A_44 = arith.constant 5120 : i32
      %mul3A_45 = vector.broadcast %mul3A_44 : i32 to vector<16xi32>
      %mul3A_46 = arith.muli %and3A_43, %mul3A_45 : vector<16xi32>
      %shift_right_arithmetic3A = arith.constant 1 : i32
      %shift_right_arithmetic3A_47 = vector.broadcast %shift_right_arithmetic3A : i32 to vector<16xi32>
      %shift_right_arithmetic3A_48 = arith.shrsi %get3A_41, %shift_right_arithmetic3A_47 : vector<16xi32>
      %add3A_49 = arith.addi %mul3A_46, %shift_right_arithmetic3A_48 : vector<16xi32>
      tpu.vector_store_idx %arg7[%add3A_49], %broadcast_in_dim3A_22 {add = true} : memref<10240xf32, #tpu.memory_space<vmem>>[vector<16xi32>], vector<16xf32>,
      %get3A_50 = arith.index_cast %scan3A_39 : i32 to index
      %get3A_51 = arith.constant 16 : index
      %get3A_52 = tpu.vector_load %arg8[%get3A_50, %get3A_51] {strides = array<i32>} : memref<80x128xi32, #tpu.memory_space<vmem>>, vector<16xi32>,
      %and3A_53 = arith.constant 1 : i32
      %and3A_54 = vector.broadcast %and3A_53 : i32 to vector<16xi32>
      %and3A_55 = arith.andi %get3A_52, %and3A_54 : vector<16xi32>
      %mul3A_56 = arith.constant 5120 : i32
      %mul3A_57 = vector.broadcast %mul3A_56 : i32 to vector<16xi32>
      %mul3A_58 = arith.muli %and3A_55, %mul3A_57 : vector<16xi32>
      %shift_right_arithmetic3A_59 = arith.constant 1 : i32
      %shift_right_arithmetic3A_60 = vector.broadcast %shift_right_arithmetic3A_59 : i32 to vector<16xi32>
      %shift_right_arithmetic3A_61 = arith.shrsi %get3A_52, %shift_right_arithmetic3A_60 : vector<16xi32>
      %add3A_62 = arith.addi %mul3A_58, %shift_right_arithmetic3A_61 : vector<16xi32>
      tpu.vector_store_idx %arg7[%add3A_62], %broadcast_in_dim3A_22 {add = true} : memref<10240xf32, #tpu.memory_space<vmem>>[vector<16xi32>], vector<16xf32>,
      %get3A_63 = arith.index_cast %scan3A_39 : i32 to index
      %get3A_64 = arith.constant 32 : index
      %get3A_65 = tpu.vector_load %arg8[%get3A_63, %get3A_64] {strides = array<i32>} : memref<80x128xi32, #tpu.memory_space<vmem>>, vector<16xi32>,
      %and3A_66 = arith.constant 1 : i32
      %and3A_67 = vector.broadcast %and3A_66 : i32 to vector<16xi32>
      %and3A_68 = arith.andi %get3A_65, %and3A_67 : vector<16xi32>
      %mul3A_69 = arith.constant 5120 : i32
      %mul3A_70 = vector.broadcast %mul3A_69 : i32 to vector<16xi32>
      %mul3A_71 = arith.muli %and3A_68, %mul3A_70 : vector<16xi32>
      %shift_right_arithmetic3A_72 = arith.constant 1 : i32
      %shift_right_arithmetic3A_73 = vector.broadcast %shift_right_arithmetic3A_72 : i32 to vector<16xi32>
      %shift_right_arithmetic3A_74 = arith.shrsi %get3A_65, %shift_right_arithmetic3A_73 : vector<16xi32>
      %add3A_75 = arith.addi %mul3A_71, %shift_right_arithmetic3A_74 : vector<16xi32>
      tpu.vector_store_idx %arg7[%add3A_75], %broadcast_in_dim3A_22 {add = true} : memref<10240xf32, #tpu.memory_space<vmem>>[vector<16xi32>], vector<16xf32>,
      %get3A_76 = arith.index_cast %scan3A_39 : i32 to index
      %get3A_77 = arith.constant 48 : index
      %get3A_78 = tpu.vector_load %arg8[%get3A_76, %get3A_77] {strides = array<i32>} : memref<80x128xi32, #tpu.memory_space<vmem>>, vector<16xi32>,
      %and3A_79 = arith.constant 1 : i32
      %and3A_80 = vector.broadcast %and3A_79 : i32 to vector<16xi32>
      %and3A_81 = arith.andi %get3A_78, %and3A_80 : vector<16xi32>
      %mul3A_82 = arith.constant 5120 : i32
      %mul3A_83 = vector.broadcast %mul3A_82 : i32 to vector<16xi32>
      %mul3A_84 = arith.muli %and3A_81, %mul3A_83 : vector<16xi32>
      %shift_right_arithmetic3A_85 = arith.constant 1 : i32
      %shift_right_arithmetic3A_86 = vector.broadcast %shift_right_arithmetic3A_85 : i32 to vector<16xi32>
      %shift_right_arithmetic3A_87 = arith.shrsi %get3A_78, %shift_right_arithmetic3A_86 : vector<16xi32>
      %add3A_88 = arith.addi %mul3A_84, %shift_right_arithmetic3A_87 : vector<16xi32>
      tpu.vector_store_idx %arg7[%add3A_88], %broadcast_in_dim3A_22 {add = true} : memref<10240xf32, #tpu.memory_space<vmem>>[vector<16xi32>], vector<16xf32>,
      %get3A_89 = arith.index_cast %scan3A_39 : i32 to index
      %get3A_90 = arith.constant 64 : index
      %get3A_91 = tpu.vector_load %arg8[%get3A_89, %get3A_90] {strides = array<i32>} : memref<80x128xi32, #tpu.memory_space<vmem>>, vector<16xi32>,
      %and3A_92 = arith.constant 1 : i32
      %and3A_93 = vector.broadcast %and3A_92 : i32 to vector<16xi32>
      %and3A_94 = arith.andi %get3A_91, %and3A_93 : vector<16xi32>
      %mul3A_95 = arith.constant 5120 : i32
      %mul3A_96 = vector.broadcast %mul3A_95 : i32 to vector<16xi32>
      %mul3A_97 = arith.muli %and3A_94, %mul3A_96 : vector<16xi32>
      %shift_right_arithmetic3A_98 = arith.constant 1 : i32
      %shift_right_arithmetic3A_99 = vector.broadcast %shift_right_arithmetic3A_98 : i32 to vector<16xi32>
      %shift_right_arithmetic3A_100 = arith.shrsi %get3A_91, %shift_right_arithmetic3A_99 : vector<16xi32>
      %add3A_101 = arith.addi %mul3A_97, %shift_right_arithmetic3A_100 : vector<16xi32>
      tpu.vector_store_idx %arg7[%add3A_101], %broadcast_in_dim3A_22 {add = true} : memref<10240xf32, #tpu.memory_space<vmem>>[vector<16xi32>], vector<16xf32>,
      %get3A_102 = arith.index_cast %scan3A_39 : i32 to index
      %get3A_103 = arith.constant 80 : index
      %get3A_104 = tpu.vector_load %arg8[%get3A_102, %get3A_103] {strides = array<i32>} : memref<80x128xi32, #tpu.memory_space<vmem>>, vector<16xi32>,
      %and3A_105 = arith.constant 1 : i32
      %and3A_106 = vector.broadcast %and3A_105 : i32 to vector<16xi32>
      %and3A_107 = arith.andi %get3A_104, %and3A_106 : vector<16xi32>
      %mul3A_108 = arith.constant 5120 : i32
      %mul3A_109 = vector.broadcast %mul3A_108 : i32 to vector<16xi32>
      %mul3A_110 = arith.muli %and3A_107, %mul3A_109 : vector<16xi32>
      %shift_right_arithmetic3A_111 = arith.constant 1 : i32
      %shift_right_arithmetic3A_112 = vector.broadcast %shift_right_arithmetic3A_111 : i32 to vector<16xi32>
      %shift_right_arithmetic3A_113 = arith.shrsi %get3A_104, %shift_right_arithmetic3A_112 : vector<16xi32>
      %add3A_114 = arith.addi %mul3A_110, %shift_right_arithmetic3A_113 : vector<16xi32>
      tpu.vector_store_idx %arg7[%add3A_114], %broadcast_in_dim3A_22 {add = true} : memref<10240xf32, #tpu.memory_space<vmem>>[vector<16xi32>], vector<16xf32>,
      %get3A_115 = arith.index_cast %scan3A_39 : i32 to index
      %get3A_116 = arith.constant 96 : index
      %get3A_117 = tpu.vector_load %arg8[%get3A_115, %get3A_116] {strides = array<i32>} : memref<80x128xi32, #tpu.memory_space<vmem>>, vector<16xi32>,
      %and3A_118 = arith.constant 1 : i32
      %and3A_119 = vector.broadcast %and3A_118 : i32 to vector<16xi32>
      %and3A_120 = arith.andi %get3A_117, %and3A_119 : vector<16xi32>
      %mul3A_121 = arith.constant 5120 : i32
      %mul3A_122 = vector.broadcast %mul3A_121 : i32 to vector<16xi32>
      %mul3A_123 = arith.muli %and3A_120, %mul3A_122 : vector<16xi32>
      %shift_right_arithmetic3A_124 = arith.constant 1 : i32
      %shift_right_arithmetic3A_125 = vector.broadcast %shift_right_arithmetic3A_124 : i32 to vector<16xi32>
      %shift_right_arithmetic3A_126 = arith.shrsi %get3A_117, %shift_right_arithmetic3A_125 : vector<16xi32>
      %add3A_127 = arith.addi %mul3A_123, %shift_right_arithmetic3A_126 : vector<16xi32>
      tpu.vector_store_idx %arg7[%add3A_127], %broadcast_in_dim3A_22 {add = true} : memref<10240xf32, #tpu.memory_space<vmem>>[vector<16xi32>], vector<16xf32>,
      %get3A_128 = arith.index_cast %scan3A_39 : i32 to index
      %get3A_129 = arith.constant 112 : index
      %get3A_130 = tpu.vector_load %arg8[%get3A_128, %get3A_129] {strides = array<i32>} : memref<80x128xi32, #tpu.memory_space<vmem>>, vector<16xi32>,
      %and3A_131 = arith.constant 1 : i32
      %and3A_132 = vector.broadcast %and3A_131 : i32 to vector<16xi32>
      %and3A_133 = arith.andi %get3A_130, %and3A_132 : vector<16xi32>
      %mul3A_134 = arith.constant 5120 : i32
      %mul3A_135 = vector.broadcast %mul3A_134 : i32 to vector<16xi32>
      %mul3A_136 = arith.muli %and3A_133, %mul3A_135 : vector<16xi32>
      %shift_right_arithmetic3A_137 = arith.constant 1 : i32
      %shift_right_arithmetic3A_138 = vector.broadcast %shift_right_arithmetic3A_137 : i32 to vector<16xi32>
      %shift_right_arithmetic3A_139 = arith.shrsi %get3A_130, %shift_right_arithmetic3A_138 : vector<16xi32>
      %add3A_140 = arith.addi %mul3A_136, %shift_right_arithmetic3A_139 : vector<16xi32>
      tpu.vector_store_idx %arg7[%add3A_140], %broadcast_in_dim3A_22 {add = true} : memref<10240xf32, #tpu.memory_space<vmem>>[vector<16xi32>], vector<16xf32>,
    }
    %scan3A_28 = arith.constant 80 : i32
    %mul3A_29 = arith.constant 10240 : i32
    %mul3A_30 = arith.muli %add3A, %mul3A_29 : i32
    "tpu.region"() ({
      %run_scoped3A_39 = tpu.sem_alloc : memref<!tpu.dma_semaphore, #tpu.memory_space<semaphore_mem>>
      %dma_start3A = tpu.memref_slice %arg4[%mul3A_30] : memref<327680xf32, #tpu.memory_space<hbm>> -> memref<10240xf32, #tpu.memory_space<hbm>>
      %dma_start3A_40 = tpu.memref_slice %arg4[%mul3A_30] : memref<327680xf32, #tpu.memory_space<hbm>> -> memref<10240xf32, #tpu.memory_space<hbm>>
      tpu.enqueue_dma source(%arg7 : memref<10240xf32, #tpu.memory_space<vmem>>) target(%dma_start3A_40 : memref<10240xf32, #tpu.memory_space<hbm>>) target_semaphore(%run_scoped3A_39 : memref<!tpu.dma_semaphore, #tpu.memory_space<semaphore_mem>>)
      %dma_wait3A = tpu.memref_slice %arg4[%mul3A_30] : memref<327680xf32, #tpu.memory_space<hbm>> -> memref<10240xf32, #tpu.memory_space<hbm>>
      %dma_wait3A_41 = tpu.memref_slice %arg4[%mul3A_30] : memref<327680xf32, #tpu.memory_space<hbm>> -> memref<10240xf32, #tpu.memory_space<hbm>>
      tpu.wait_dma2 semaphore(%run_scoped3A_39 : memref<!tpu.dma_semaphore, #tpu.memory_space<semaphore_mem>>) src(%arg7 : memref<10240xf32, #tpu.memory_space<vmem>>) dst(%dma_wait3A_41 : memref<10240xf32, #tpu.memory_space<hbm>>)
      tpu.yield
    }) : () -> ()
    %not3A_31 = arith.constant true
    %not3A_32 = arith.xori %eq3A_3, %not3A_31 : i1
    %convert_element_type3A_33 = arith.extui %not3A_32 : i1 to i32
    %cond3A_34 = arith.constant 0 : i32
    %cond3A_35 = arith.cmpi ne, %convert_element_type3A_33, %cond3A_34 : i32
    scf.if %cond3A_35 {
      %dma_wait3A = arith.constant 0 : i32
      %dma_wait3A_39 = arith.constant 0 : i32
      %dma_wait3A_40 = tpu.memref_slice %arg3[%dma_wait3A, %dma_wait3A_39] : memref<10000x128xf32, #tpu.memory_space<hbm>> -> memref<10000x128xf32, #tpu.memory_space<hbm>>
      tpu.wait_indirect_dma semaphore(%arg13 : memref<!tpu.dma_semaphore, #tpu.memory_space<semaphore_mem>>) src(%dma_wait3A_40 : memref<10000x128xf32, #tpu.memory_space<hbm>>) dst(%arg11 : memref<160x128xf32, #tpu.memory_space<vmem>>)
      %dma_wait3A_41 = arith.constant 0 : i32
      %dma_wait3A_42 = arith.constant 0 : i32
      %dma_wait3A_43 = tpu.memref_slice %arg3[%dma_wait3A_41, %dma_wait3A_42] : memref<10000x128xf32, #tpu.memory_space<hbm>> -> memref<10000x128xf32, #tpu.memory_space<hbm>>
      tpu.wait_indirect_dma semaphore(%arg13 : memref<!tpu.dma_semaphore, #tpu.memory_space<semaphore_mem>>) src(%dma_wait3A_43 : memref<10000x128xf32, #tpu.memory_space<hbm>>) dst(%arg12 : memref<160x128xf32, #tpu.memory_space<vmem>>)
      "tpu.region"() ({
        %run_scoped3A_44 = tpu.sem_alloc : memref<!tpu.dma_semaphore, #tpu.memory_space<semaphore_mem>>
        %dma_start3A = arith.constant 0 : i32
        %dma_start3A_45 = tpu.memref_slice %arg5[%mul3A_2, %dma_start3A] : memref<5000x128xf32, #tpu.memory_space<hbm>> -> memref<160x128xf32, #tpu.memory_space<hbm>>
        %dma_start3A_46 = arith.constant 0 : i32
        %dma_start3A_47 = tpu.memref_slice %arg5[%mul3A_2, %dma_start3A_46] : memref<5000x128xf32, #tpu.memory_space<hbm>> -> memref<160x128xf32, #tpu.memory_space<hbm>>
        tpu.enqueue_dma source(%arg11 : memref<160x128xf32, #tpu.memory_space<vmem>>) target(%dma_start3A_47 : memref<160x128xf32, #tpu.memory_space<hbm>>) target_semaphore(%run_scoped3A_44 : memref<!tpu.dma_semaphore, #tpu.memory_space<semaphore_mem>>)
        %dma_wait3A_48 = arith.constant 0 : i32
        %dma_wait3A_49 = tpu.memref_slice %arg5[%mul3A_2, %dma_wait3A_48] : memref<5000x128xf32, #tpu.memory_space<hbm>> -> memref<160x128xf32, #tpu.memory_space<hbm>>
        %dma_wait3A_50 = arith.constant 0 : i32
        %dma_wait3A_51 = tpu.memref_slice %arg5[%mul3A_2, %dma_wait3A_50] : memref<5000x128xf32, #tpu.memory_space<hbm>> -> memref<160x128xf32, #tpu.memory_space<hbm>>
        tpu.wait_dma2 semaphore(%run_scoped3A_44 : memref<!tpu.dma_semaphore, #tpu.memory_space<semaphore_mem>>) src(%arg11 : memref<160x128xf32, #tpu.memory_space<vmem>>) dst(%dma_wait3A_51 : memref<160x128xf32, #tpu.memory_space<hbm>>)
        tpu.yield
      }) : () -> ()
      "tpu.region"() ({
        %run_scoped3A_44 = tpu.sem_alloc : memref<!tpu.dma_semaphore, #tpu.memory_space<semaphore_mem>>
        %dma_start3A = arith.constant 0 : i32
        %dma_start3A_45 = tpu.memref_slice %arg6[%mul3A_2, %dma_start3A] : memref<5000x128xf32, #tpu.memory_space<hbm>> -> memref<160x128xf32, #tpu.memory_space<hbm>>
        %dma_start3A_46 = arith.constant 0 : i32
        %dma_start3A_47 = tpu.memref_slice %arg6[%mul3A_2, %dma_start3A_46] : memref<5000x128xf32, #tpu.memory_space<hbm>> -> memref<160x128xf32, #tpu.memory_space<hbm>>
        tpu.enqueue_dma source(%arg12 : memref<160x128xf32, #tpu.memory_space<vmem>>) target(%dma_start3A_47 : memref<160x128xf32, #tpu.memory_space<hbm>>) target_semaphore(%run_scoped3A_44 : memref<!tpu.dma_semaphore, #tpu.memory_space<semaphore_mem>>)
        %dma_wait3A_48 = arith.constant 0 : i32
        %dma_wait3A_49 = tpu.memref_slice %arg6[%mul3A_2, %dma_wait3A_48] : memref<5000x128xf32, #tpu.memory_space<hbm>> -> memref<160x128xf32, #tpu.memory_space<hbm>>
        %dma_wait3A_50 = arith.constant 0 : i32
        %dma_wait3A_51 = tpu.memref_slice %arg6[%mul3A_2, %dma_wait3A_50] : memref<5000x128xf32, #tpu.memory_space<hbm>> -> memref<160x128xf32, #tpu.memory_space<hbm>>
        tpu.wait_dma2 semaphore(%run_scoped3A_44 : memref<!tpu.dma_semaphore, #tpu.memory_space<semaphore_mem>>) src(%arg12 : memref<160x128xf32, #tpu.memory_space<vmem>>) dst(%dma_wait3A_51 : memref<160x128xf32, #tpu.memory_space<hbm>>)
        tpu.yield
      }) : () -> ()
    } else {
    }
    %convert_element_type3A_36 = arith.extui %eq3A_3 : i1 to i32
    %cond3A_37 = arith.constant 0 : i32
    %cond3A_38 = arith.cmpi ne, %convert_element_type3A_36, %cond3A_37 : i32
    scf.if %cond3A_38 {
      %dma_wait3A = arith.constant 0 : i32
      %dma_wait3A_39 = arith.constant 0 : i32
      %dma_wait3A_40 = tpu.memref_slice %arg11[%dma_wait3A, %dma_wait3A_39] : memref<160x128xf32, #tpu.memory_space<vmem>> -> memref<40x128xf32, #tpu.memory_space<vmem>>
      %dma_wait3A_41 = arith.constant 0 : i32
      %dma_wait3A_42 = tpu.memref_slice %arg9[%dma_wait3A_41] : memref<160xi32, #tpu.memory_space<vmem>> -> memref<40xi32, #tpu.memory_space<vmem>>
      %dma_wait3A_43 = arith.constant 0 : i32
      %dma_wait3A_44 = arith.constant 0 : i32
      %dma_wait3A_45 = tpu.memref_slice %arg3[%dma_wait3A_43, %dma_wait3A_44] : memref<10000x128xf32, #tpu.memory_space<hbm>> -> memref<10000x128xf32, #tpu.memory_space<hbm>>
      tpu.wait_indirect_dma semaphore(%arg13 : memref<!tpu.dma_semaphore, #tpu.memory_space<semaphore_mem>>) src(%dma_wait3A_45 : memref<10000x128xf32, #tpu.memory_space<hbm>>) dst(%dma_wait3A_40 : memref<40x128xf32, #tpu.memory_space<vmem>>)
      %dma_wait3A_46 = arith.constant 0 : i32
      %dma_wait3A_47 = arith.constant 0 : i32
      %dma_wait3A_48 = tpu.memref_slice %arg12[%dma_wait3A_46, %dma_wait3A_47] : memref<160x128xf32, #tpu.memory_space<vmem>> -> memref<40x128xf32, #tpu.memory_space<vmem>>
      %dma_wait3A_49 = arith.constant 0 : i32
      %dma_wait3A_50 = tpu.memref_slice %arg10[%dma_wait3A_49] : memref<160xi32, #tpu.memory_space<vmem>> -> memref<40xi32, #tpu.memory_space<vmem>>
      %dma_wait3A_51 = arith.constant 0 : i32
      %dma_wait3A_52 = arith.constant 0 : i32
      %dma_wait3A_53 = tpu.memref_slice %arg3[%dma_wait3A_51, %dma_wait3A_52] : memref<10000x128xf32, #tpu.memory_space<hbm>> -> memref<10000x128xf32, #tpu.memory_space<hbm>>
      tpu.wait_indirect_dma semaphore(%arg13 : memref<!tpu.dma_semaphore, #tpu.memory_space<semaphore_mem>>) src(%dma_wait3A_53 : memref<10000x128xf32, #tpu.memory_space<hbm>>) dst(%dma_wait3A_48 : memref<40x128xf32, #tpu.memory_space<vmem>>)
      "tpu.region"() ({
        %run_scoped3A_54 = tpu.sem_alloc : memref<!tpu.dma_semaphore, #tpu.memory_space<semaphore_mem>>
        %dma_start3A = arith.constant 0 : i32
        %dma_start3A_55 = arith.constant 0 : i32
        %dma_start3A_56 = tpu.memref_slice %arg11[%dma_start3A, %dma_start3A_55] : memref<160x128xf32, #tpu.memory_space<vmem>> -> memref<40x128xf32, #tpu.memory_space<vmem>>
        %dma_start3A_57 = arith.constant 0 : i32
        %dma_start3A_58 = tpu.memref_slice %arg5[%mul3A_2, %dma_start3A_57] : memref<5000x128xf32, #tpu.memory_space<hbm>> -> memref<40x128xf32, #tpu.memory_space<hbm>>
        %dma_start3A_59 = arith.constant 0 : i32
        %dma_start3A_60 = tpu.memref_slice %arg5[%mul3A_2, %dma_start3A_59] : memref<5000x128xf32, #tpu.memory_space<hbm>> -> memref<40x128xf32, #tpu.memory_space<hbm>>
        %dma_start3A_61 = arith.constant 0 : i32
        %dma_start3A_62 = arith.constant 0 : i32
        %dma_start3A_63 = tpu.memref_slice %arg11[%dma_start3A_61, %dma_start3A_62] : memref<160x128xf32, #tpu.memory_space<vmem>> -> memref<40x128xf32, #tpu.memory_space<vmem>>
        tpu.enqueue_dma source(%dma_start3A_63 : memref<40x128xf32, #tpu.memory_space<vmem>>) target(%dma_start3A_60 : memref<40x128xf32, #tpu.memory_space<hbm>>) target_semaphore(%run_scoped3A_54 : memref<!tpu.dma_semaphore, #tpu.memory_space<semaphore_mem>>)
        %dma_wait3A_64 = arith.constant 0 : i32
        %dma_wait3A_65 = arith.constant 0 : i32
        %dma_wait3A_66 = tpu.memref_slice %arg11[%dma_wait3A_64, %dma_wait3A_65] : memref<160x128xf32, #tpu.memory_space<vmem>> -> memref<40x128xf32, #tpu.memory_space<vmem>>
        %dma_wait3A_67 = arith.constant 0 : i32
        %dma_wait3A_68 = tpu.memref_slice %arg5[%mul3A_2, %dma_wait3A_67] : memref<5000x128xf32, #tpu.memory_space<hbm>> -> memref<40x128xf32, #tpu.memory_space<hbm>>
        %dma_wait3A_69 = arith.constant 0 : i32
        %dma_wait3A_70 = tpu.memref_slice %arg5[%mul3A_2, %dma_wait3A_69] : memref<5000x128xf32, #tpu.memory_space<hbm>> -> memref<40x128xf32, #tpu.memory_space<hbm>>
        %dma_wait3A_71 = arith.constant 0 : i32
        %dma_wait3A_72 = arith.constant 0 : i32
        %dma_wait3A_73 = tpu.memref_slice %arg11[%dma_wait3A_71, %dma_wait3A_72] : memref<160x128xf32, #tpu.memory_space<vmem>> -> memref<40x128xf32, #tpu.memory_space<vmem>>
        tpu.wait_dma2 semaphore(%run_scoped3A_54 : memref<!tpu.dma_semaphore, #tpu.memory_space<semaphore_mem>>) src(%dma_wait3A_73 : memref<40x128xf32, #tpu.memory_space<vmem>>) dst(%dma_wait3A_70 : memref<40x128xf32, #tpu.memory_space<hbm>>)
        tpu.yield
      }) : () -> ()
      "tpu.region"() ({
        %run_scoped3A_54 = tpu.sem_alloc : memref<!tpu.dma_semaphore, #tpu.memory_space<semaphore_mem>>
        %dma_start3A = arith.constant 0 : i32
        %dma_start3A_55 = arith.constant 0 : i32
        %dma_start3A_56 = tpu.memref_slice %arg12[%dma_start3A, %dma_start3A_55] : memref<160x128xf32, #tpu.memory_space<vmem>> -> memref<40x128xf32, #tpu.memory_space<vmem>>
        %dma_start3A_57 = arith.constant 0 : i32
        %dma_start3A_58 = tpu.memref_slice %arg6[%mul3A_2, %dma_start3A_57] : memref<5000x128xf32, #tpu.memory_space<hbm>> -> memref<40x128xf32, #tpu.memory_space<hbm>>
        %dma_start3A_59 = arith.constant 0 : i32
        %dma_start3A_60 = tpu.memref_slice %arg6[%mul3A_2, %dma_start3A_59] : memref<5000x128xf32, #tpu.memory_space<hbm>> -> memref<40x128xf32, #tpu.memory_space<hbm>>
        %dma_start3A_61 = arith.constant 0 : i32
        %dma_start3A_62 = arith.constant 0 : i32
        %dma_start3A_63 = tpu.memref_slice %arg12[%dma_start3A_61, %dma_start3A_62] : memref<160x128xf32, #tpu.memory_space<vmem>> -> memref<40x128xf32, #tpu.memory_space<vmem>>
        tpu.enqueue_dma source(%dma_start3A_63 : memref<40x128xf32, #tpu.memory_space<vmem>>) target(%dma_start3A_60 : memref<40x128xf32, #tpu.memory_space<hbm>>) target_semaphore(%run_scoped3A_54 : memref<!tpu.dma_semaphore, #tpu.memory_space<semaphore_mem>>)
        %dma_wait3A_64 = arith.constant 0 : i32
        %dma_wait3A_65 = arith.constant 0 : i32
        %dma_wait3A_66 = tpu.memref_slice %arg12[%dma_wait3A_64, %dma_wait3A_65] : memref<160x128xf32, #tpu.memory_space<vmem>> -> memref<40x128xf32, #tpu.memory_space<vmem>>
        %dma_wait3A_67 = arith.constant 0 : i32
        %dma_wait3A_68 = tpu.memref_slice %arg6[%mul3A_2, %dma_wait3A_67] : memref<5000x128xf32, #tpu.memory_space<hbm>> -> memref<40x128xf32, #tpu.memory_space<hbm>>
        %dma_wait3A_69 = arith.constant 0 : i32
        %dma_wait3A_70 = tpu.memref_slice %arg6[%mul3A_2, %dma_wait3A_69] : memref<5000x128xf32, #tpu.memory_space<hbm>> -> memref<40x128xf32, #tpu.memory_space<hbm>>
        %dma_wait3A_71 = arith.constant 0 : i32
        %dma_wait3A_72 = arith.constant 0 : i32
        %dma_wait3A_73 = tpu.memref_slice %arg12[%dma_wait3A_71, %dma_wait3A_72] : memref<160x128xf32, #tpu.memory_space<vmem>> -> memref<40x128xf32, #tpu.memory_space<vmem>>
        tpu.wait_dma2 semaphore(%run_scoped3A_54 : memref<!tpu.dma_semaphore, #tpu.memory_space<semaphore_mem>>) src(%dma_wait3A_73 : memref<40x128xf32, #tpu.memory_space<vmem>>) dst(%dma_wait3A_70 : memref<40x128xf32, #tpu.memory_space<hbm>>)
        tpu.yield
      }) : () -> ()
    } else {
    }
    return
  }
}

</mosaic_0001>

<sc_bundles>
// kernel: _sc_hist.3.cloned.1.call-start
scs
__scs_entry_jumppad:
0x0: {  	(pc) =	sbr.rel $0x88, $3  }
0x1: {  	(tag) =	ssettag $0x0;
	lr =	simm.s32 $0x1  }
0x2: {  	[smem:$0x3F9F] =	sst lr;
	_ =	strace $0xD0000000  }
0x3: {  	_ = 	snop  }
0x4: {  	_ = 	snop  }
0x5: {  	_ = 	snop  }
0x6: {  	_ = 	snop  }
0x7: {  	_ = 	snop  }
__scs_overlays_trampoline_lowered:
0x8: {  	[smem:$0x3FAE] =	sst s0  }
0x9: {  	[smem:$0x3FAF] =	sst s1  }
0xa: {  	[smem:$0x3FB0] =	sst s2  }
0xb: {  	[smem:$0x3FB1] =	sst s3  }
0xc: {  	[smem:$0x3FB2] =	sst s4  }
0xd: {  	[smem:$0x3FB3] =	sst s5  }
0xe: {  	[smem:$0x3FB4] =	sst s6  }
0xf: {  	[smem:$0x3FB5] =	sst s7  }
0x10: {  	[smem:$0x3FB6] =	sst s8  }
0x11: {  	[smem:$0x3FB7] =	sst s9;
	s0 =	simm.s32 @!p0 $0x0  }
0x12: {  	s1 =	sld [smem:$0x3F9D];
	s0 =	simm.s32 @p0 $0x1  }
0x13: {  	[smem:$0x3FB8] =	sst s0;
	s0 =	simm.s32 @!p1 $0x0  }
0x14: {  	s2 =	sld [smem:$0x3F9C];
	s0 =	simm.s32 @p1 $0x1  }
0x15: {  	[smem:$0x3FB9] =	sst s0;
	s0 =	simm.s32 @!p2 $0x0  }
0x16: {  	s3 =	sld [smem:$0x3FDB];
	s0 =	simm.s32 @p2 $0x1  }
0x17: {  	s4 =	simm.s32 $0x1BF5;
	[smem:$0x3FBB] =	sst s0  }
0x18: {  	s0 =	sld [smem:$0x3F9E];
	_ =	swait.ge [sflag:s4], $0x0  }
0x19: {  	s7 =	sld [smem:$0x3F9F]  }
0x1a: {  	s8 =	sadd.s32 $0xFFFFE003, lr  }
0x1b: {  	s9 =	sadd.s32 $0xFFFFFEF7, lr;
	s5 =	simm.s32 $0xFFFFFFFF;
	p2 =	slt.u32 s8, $0xFFFFF086  }
0x1c: {  	p1 =	slt.u32 s9, $0xF7A;
	s5 =	simm.s32 @!p2 $0x0  }
0x1d: {  	s5 =	simm.s32 @p1 $0x1;
	p0 =	seq.s32 s7, s2  }
0x1e: {  	s7 =	smul.u32 @!p0 $0xF7A, s2;
	p2 =	seq.s32 @!p0 s5, $0x0  }
0x1f: {  	s9 =	smul.u32 $0xF7A, s1;
	s8 =	simm.s32 @!p0 $0x1BF5;
	p2 =	por !p2, p0  }
0x20: {  	[sflag:s8] =	ssyncset.s32 @!p0 $0xFFFFF086;
	s6 =	sadd.s32 @!p0 s3, s7;
	s7 =	simm.s32 @!p0 $0x108  }
0x21: {  	s3 =	sadd.s32 s3, s9;
	s6 =	sadd.s32 @!p0 $0x88, s6;
	s7 =	simm.s32 @p2 $0x1082  }
0x22: {  	[simem:s7], [sflag:s8] =	dma.local @!p0 [hbm:s6], $0xF7A  }
0x23: {  	s9 =	sor.u32 $0xD0000000, s2;
	s6 =	simm.s32 $0x108;
	_ =	swait.ge @!p0 [sflag:s8], $0x0  }
0x24: {  	s3 =	sadd.s32 $0x88, s3;
	s6 =	simm.s32 @!p1 $0x1082;
	[sflag:s4] =	ssyncset.s32 $0xFFFFF086  }
0x25: {  	[simem:s6], [sflag:s4] =	dma.local [hbm:s3], $0xF7A  }
0x26: {  	[smem:$0x3F9F] =	sst s1;
	(tag) =	ssettag s2;
	_ =	strace s9  }
0x27: {  	s1 =	sld [smem:$0x3FAF]  }
0x28: {  	s2 =	sld [smem:$0x3FB0]  }
0x29: {  	s4 =	sld [smem:$0x3FB2]  }
0x2a: {  	p0 =	seq.s32 s5, $0x0;
	s5 =	sld [smem:$0x3FB3]  }
0x2b: {  	s6 =	sld [smem:$0x3FB4]  }
0x2c: {  	s7 =	sld [smem:$0x3FB5]  }
0x2d: {  	s3 =	simm.s32 $0x108;
	s8 =	sld [smem:$0x3FB6]  }
0x2e: {  	s3 =	simm.s32 @!p0 $0x1082;
	s9 =	sld [smem:$0x3FB7]  }
0x2f: {  	lr =	sadd.s32 s0, s3;
	s0 =	sld [smem:$0x3FAE]  }
0x30: {  	s3 =	sld [smem:$0x3FB1]  }
0x31: {  	[smem:$0x3FBA] =	sst s10  }
0x32: {  	s10 =	sld [smem:$0x3FB8];
	_ =	sdelay $0x3  }
0x33: {  	p0 =	seq.s32 s10, $0x1;
	s10 =	sld [smem:$0x3FBA];
	_ =	sdelay $0x3  }
0x34: {  	[smem:$0x3FBA] =	sst s10  }
0x35: {  	s10 =	sld [smem:$0x3FB9];
	_ =	sdelay $0x3  }
0x36: {  	p1 =	seq.s32 s10, $0x1;
	s10 =	sld [smem:$0x3FBA];
	_ =	sdelay $0x3  }
0x37: {  	[smem:$0x3FBA] =	sst s10  }
0x38: {  	s10 =	sld [smem:$0x3FBB]  }
0x39: {  	_ = 	snop;
	(pc) =	sbr.ind lr, $3  }
0x3a: {  	_ = 	snop  }
0x3b: {  	_ = 	snop  }
0x3c: {  	p2 =	seq.s32 s10, $0x1;
	s10 =	sld [smem:$0x3FBA]  }
0x3d: {  	_ =	shalt  }
0x3e: {  	_ =	shalt  }
0x3f: {  	_ =	shalt  }
0x40: {  	_ =	shalt  }
0x41: {  	_ =	shalt  }
0x42: {  	_ =	shalt  }
0x43: {  	_ =	shalt  }
0x44: {  	_ =	shalt  }
0x45: {  	_ =	shalt  }
0x46: {  	_ =	shalt  }
0x47: {  	_ =	shalt  }
0x48: {  	_ =	shalt  }
0x49: {  	_ =	shalt  }
0x4a: {  	_ =	shalt  }
0x4b: {  	_ =	shalt  }
0x4c: {  	_ =	shalt  }
0x4d: {  	_ =	shalt  }
0x4e: {  	_ =	shalt  }
0x4f: {  	_ =	shalt  }
0x50: {  	_ =	shalt  }
0x51: {  	_ =	shalt  }
0x52: {  	_ =	shalt  }
0x53: {  	_ =	shalt  }
0x54: {  	_ =	shalt  }
0x55: {  	_ =	shalt  }
0x56: {  	_ =	shalt  }
0x57: {  	_ =	shalt  }
0x58: {  	_ =	shalt  }
0x59: {  	_ =	shalt  }
0x5a: {  	_ =	shalt  }
0x5b: {  	_ =	shalt  }
0x5c: {  	_ =	shalt  }
0x5d: {  	_ =	shalt  }
0x5e: {  	_ =	shalt  }
0x5f: {  	_ =	shalt  }
0x60: {  	_ =	shalt  }
0x61: {  	_ =	shalt  }
0x62: {  	_ =	shalt  }
0x63: {  	_ =	shalt  }
0x64: {  	_ =	shalt  }
0x65: {  	_ =	shalt  }
0x66: {  	_ =	shalt  }
0x67: {  	_ =	shalt  }
0x68: {  	_ =	shalt  }
0x69: {  	_ =	shalt  }
0x6a: {  	_ =	shalt  }
0x6b: {  	_ =	shalt  }
0x6c: {  	_ =	shalt  }
0x6d: {  	_ =	shalt  }
0x6e: {  	_ =	shalt  }
0x6f: {  	_ =	shalt  }
0x70: {  	_ =	shalt  }
0x71: {  	_ =	shalt  }
0x72: {  	_ =	shalt  }
0x73: {  	_ =	shalt  }
0x74: {  	_ =	shalt  }
0x75: {  	_ =	shalt  }
0x76: {  	_ =	shalt  }
0x77: {  	_ =	shalt  }
0x78: {  	_ =	shalt  }
0x79: {  	_ =	shalt  }
0x7a: {  	_ =	shalt  }
0x7b: {  	_ =	shalt  }
0x7c: {  	_ =	shalt  }
0x7d: {  	_ =	shalt  }
0x7e: {  	_ =	shalt  }
0x7f: {  	_ =	shalt  }
0x80: {  	_ =	shalt  }
0x81: {  	_ =	shalt  }
0x82: {  	_ =	shalt  }
0x83: {  	_ =	shalt  }
0x84: {  	_ =	shalt  }
0x85: {  	_ =	shalt  }
0x86: {  	_ =	shalt  }
0x87: {  	_ =	shalt  }
.Lfunc_end0:
.L_simem_size_0:
called_computation_lowered:
.L_overlay_start_0:
0x88: {  	s2 =	sld [smem:$0x3FD9]  }
0x89: {  	s3 =	sld [smem:$0x3FFE];
	_ =	sdelay $0x1  }
0x8a: {  	s1 =	srdreg.scid  }
0x8b: {  	s0 =	sand.u32 $0x1, s1  }
0x8c: {  	s14 =	sshll.u32 s0, $0xA;
	s2 =	sadd.s32 s3, s2  }
0x8d: {  	s2 =	sadd.s32 s2, s14  }
0x8e: {  	[smem:$0x3FC6] =	sst s2  }
0x8f: {  	_ = 	snop  }
0x90: {  	s2 =	sld [smem:$0x3FD0];
	_ =	sdelay $0x1  }
0x91: {  	s15 =	sld [smem:$0x3FC9]  }
0x92: {  	s5 =	simm.s32 $0xA;
	s6 =	simm.s32 $0x10;
	s4 =	sld [smem:$0x3FC8]  }
0x93: {  	[smem:s6], [sflag:s5] =	dma.local [hbm:s2], $0x1  }
0x94: {  	_ =	swait.eq [sflag:s5], $0x1  }
0x95: {  	[sflag:s5] =	ssyncset.done $0x0  }
0x96: {  	s16 =	sld [smem:$0x11];
	[sflag:s5] =	ssyncadd.s32 $0xFFFFFFFF  }
0x97: {  	s17 =	sld [smem:$0x12];
	(tm) =	ssettm $0x1  }
0x98: {  	s18 =	sld [smem:$0x3FFB];
	_ =	sdelay $0x3  }
0x99: {  	_ =	strace s18  }
0x9a: {  	s6 =	sld [smem:$0x3FFC];
	_ =	sdelay $0x3  }
0x9b: {  	_ =	strace s6  }
0x9c: {  	s6 =	sld [smem:$0x3FFD];
	_ =	sdelay $0x3  }
0x9d: {  	_ =	strace s6  }
0x9e: {  	_ =	strace $0x8FFFFFFF  }
0x9f: {  	s19 =	sld [smem:$0x3FDB];
	_ =	sdelay $0x1  }
0xa0: {  	s7 =	simm.s32 $_scs_section_size  }
0xa1: {  	s8 =	simm.s32 $_size__tile_overlayer_lowered;
	s9 =	simm.s32 $_tile_overlayer_lowered  }
0xa2: {  	s22 =	simm.s32 $0x1BFF;
	s21 =	sshll.u32 s9, $0x1;
	s6 =	sadd.s32 s7, s19  }
0xa3: {  	s10 =	simm.s32 $0x0;
	s20 =	sshll.u32 s8, $0x1;
	s8 =	sadd.s32 s21, s6  }
0xa4: {  	[timem:s10], [sflag:s22] =	dma.local [hbm:s8], s20  }
0xa5: {  	_ =	swait.ge [sflag:s22], s20  }
0xa6: {  	s7 =	ssub.s32 $0x0, s20;
	[sflag:s22] =	ssyncset.done $0x0  }
0xa7: {  	[sflag:s22] =	ssyncadd.s32 s7;
	_ =	sdelay $0x1  }
0xa8: {  	s23 =	simm.s32 $0x1B8B  }
0xa9: {  	_ =	swait.ge [sflag:s23], $0x1  }
0xaa: {  	[sflag:s23] =	ssyncset.done $0x0  }
0xab: {  	s25 =	simm.s32 $0x1B8E;
	s24 =	sld [smem:$0x3FFE];
	[sflag:s23] =	ssyncadd.s32 $0xFFFFFFFF  }
0xac: {  	s26 =	simm.s32 $execute0_lowered;
	[smem:$0x3FD2] =	sst s25  }
0xad: {  	s8 =	sshll.u32 s26, $0x1;
	_ =	strace $0x80000046;
	[dreg:$0x1] =	wrdreg $0xFFFFFFFF  }
0xae: {  	s28 =	simm.s32 $_size_execute0_lowered;
	s6 =	sadd.s32 s6, s8;
	[dreg:$0x0] =	wrdreg $0x0  }
0xaf: {  	s8 =	sshll.u32 s28, $0x1;
	[dreg:$0x2] =	wrdreg s6  }
0xb0: {  	[dreg:$0x3] =	wrdreg s8  }
0xb1: {  	[dreg:$0x4] =	wrdreg $0xC0  }
0xb2: {  	_ =	task [dreg:s10], $0x5FFFF  }
0xb3: {  	[dreg:$0x1] =	wrdreg $0xFFFFFFFF  }
0xb4: {  	[dreg:$0x0] =	wrdreg $0x60  }
0xb5: {  	[dreg:$0x2] =	wrdreg s15  }
0xb6: {  	[dreg:$0x3] =	wrdreg s4  }
0xb7: {  	[dreg:$0x4] =	wrdreg s24  }
0xb8: {  	[dreg:$0x5] =	wrdreg s16  }
0xb9: {  	[dreg:$0x6] =	wrdreg s17  }
0xba: {  	[dreg:$0x7] =	wrdreg $0x9  }
0xbb: {  	_ =	task.clear_ibuf [dreg:s10], $0x8FFFF;
	_ =	strace $0x90000046  }
0xbc: {  	s29 =	simm.s32 $0x9;
	_ =	strace $0x80000048  }
0xbd: {  	_ =	swait.ge [sflag:s29], $0x1  }
0xbe: {  	[sflag:s29] =	ssyncadd.s32 $0xFFFFFFFF  }
0xbf: {  	_ =	strace $0x90000048  }
0xc0: {  	_ =	sfence  }
0xc1: {  	s30 =	sld [smem:$0x0];
	_ =	sdelay $0x2  }
0xc2: {  	s31 =	sshll.u32 s1, $0xD;
	s1 =	sshrl.u32 s1, $0x2  }
0xc3: {  	s3 =	sand.u32 $0x4000, s31;
	s1 =	sadd.s32 s1, s30  }
0xc4: {  	s0 =	sor.u32 s3, s0;
	s1 =	sshll.u32 s1, $0x11  }
0xc5: {  	s0 =	sor.u32 s1, s0  }
0xc6: {  	s0 =	sadd.s32 $0x8F2B, s0  }
0xc7: {  	[sflag:s0] =	ssyncadd.remote.s32 $0x1  }
0xc8: {  	_ =	sfence.sel $0xFFFF  }
0xc9: {  	[dreg:$0x0] =	wrdreg $0xFFFFFFFF;
	(pc) =	sbr.abs _section_cstart, $3  }
0xca: {  	[dreg:$0x1] =	wrdreg $0xFFFFFFFF  }
0xcb: {  	_ =	task.clear_ibuf [dreg:s10], $0x2FFFF;
	_ =	strace $0x9FFFFFFF  }
0xcc: {  	(tm) =	ssettm $0x7FFFFFFF  }
0xcd: {  	_ =	shalt  }
tec
execute0_lowered:
.L_overlay_start_1:
0x0: {  	(tag) =	ssettag $0x1  }
0x1: {  	s4 =	rddreg [dreg:$0x0]  }
0x2: {  	s0 =	rddreg [dreg:$0x1]  }
0x3: {  	s5 =	rddreg [dreg:$0x2]  }
0x4: {  	s1 =	srdreg.scid;
	s8 =	rddreg [dreg:$0x3]  }
0x5: {  	s9 =	rddreg [dreg:$0x4];
	s6 =	sand.u32 $0x1, s1  }
0x6: {  	s1 =	stileid.u32;
	s2 =	sshll.u32 s6, $0x4;
	s13 =	smul.u32 $0xA00, s6  }
0x7: {  	s3 =	simm.s32 $0x0;
	s14 =	smul.u32 $0xA0, s1;
	s12 =	sor.u32 s1, s2  }
0x8: {  	[smem:$0x7FF] =	sst s3;
	s30 =	ssub.s32 $0x2, s6;
	s7 =	smul.u32 $0x500, s12  }
0x9: {  	s2 =	rddreg [dreg:$0x5];
	s11 =	sshrl.u32 s30, $0x1;
	s10 =	smul.u32 $0x2800, s12  }
0xa: {  	_ =	strace $0x80000047;
	s31 =	smul.u32 $0xA00, s12;
	s11 =	ssub.s32 s30, s11  }
0xb: {  	p0 =	seq.s32 s12, $0x1F;
	s12 =	simm.s32 $0x2800;
	s5 =	sadd.s32 s7, s5  }
0xc: {  	s10 =	sshrl.u32 s10, $0x3;
	s6 =	sadd.s32 s8, s31;
	s7 =	sadd.s32 s9, s31  }
0xd: {  	s8 =	sadd.s32 $0x13600, s8;
	s9 =	sadd.s32 $0x13600, s9;
	s4 =	sadd.s32 s4, s10  }
0xe: {  	v0 =	vlaneseq.u32;
	v1 =	vimm.f32 $0.0e+00;
	s5 =	sadd.s32 $0x800, s5;
	s10 =	smax.u32 s11, $0x1;
	s11 =	sadd.s32 s14, s13  }
0xf: {  	v2 =	vimm.s32 $0x0;
	v3 =	vimm.f32 $1.000000000e+00;
	v0 =	vmul.u32 $0x2, v0;
	s13 =	simm.s32 $0x2;
	s14 =	simm.s32 $0x0;
	s4 =	sadd.s32 $0xA000, s4  }
.LBB2_1:
0x10: {  	v4 =	vmov s11  }
0x11: {  	v4 =	vshll.u32 v4, $0x1  }
0x12: {  	s17 =	simm.s32 $0x0;
	v4 =	vor.u32 v0, v4  }
0x13: {  	s15 =	simm.s32 $0x40;
	s16 =	smov.u32 s11;
	[tilespmem:s17+$0x5000] =	vst v4;
	v4 =	vor.u32 $0x1, v4  }
.LBB2_2:
0x14: {  	p1 =	sne.s32 s15, $0x240  }
0x15: {  	[tilespmem:s17+$0x5100] =	vst v4;
	s16 =	sadd.s32 $0x10, s16;
	s17 =	smov.u32 s15;
	s15 =	sadd.s32 $0x40, s15  }
.Ltmp0:
0x16: {  	(pc) =	sbr.rel @p1 .LBB2_2-.Ltmp0, $4  }
0x17: {  	v4 =	vmov s16  }
0x18: {  	v4 =	vshll.u32 v4, $0x1  }
0x19: {  	s17 =	sshra.s32 s17, $0x2;
	v4 =	vor.u32 v0, v4  }
0x1a: {  	[tilespmem:s17+$0x5000] =	vst v4;
	v4 =	vor.u32 $0x1, v4  }
0x1b: {  	[tilespmem:s17+$0x5100] =	vst v4;
	s15 =	simm.s32 @p0 $0x28;
	s16 =	simm.s32 @p0 $0x5000;
	s17 =	simm.s32 @p0 $0x5200  }
0x1c: {  	[tilespmem:s17], [sflag:$0x1] =	stream.indirect.gather @p0 [hbm4b:s0+s15], $0x80, s16, s15, $0xb8;
	[tilespmem:$0xF200] =	vst v63  }
0x1d: {  	s16 =	simm.s32 @p0 $0x5100;
	s17 =	simm.s32 @p0 $0xA200  }
0x1e: {  	[tilespmem:s17], [sflag:$0x1] =	stream.indirect.gather @p0 [hbm4b:s0+s15], $0x80, s16, s15, $0xb8;
	[tilespmem:$0xF200] =	vst v63  }
0x1f: {  	s15 =	simm.s32 @!p0 $0xA0;
	s16 =	simm.s32 @!p0 $0x5000;
	s17 =	simm.s32 @!p0 $0x5200  }
0x20: {  	[tilespmem:s17], [sflag:$0x1] =	stream.indirect.gather @!p0 [hbm4b:s0+s15], $0x80, s16, s15, $0xb8;
	[tilespmem:$0xF200] =	vst v63  }
0x21: {  	s16 =	simm.s32 @!p0 $0x5100;
	s17 =	simm.s32 @!p0 $0xA200  }
0x22: {  	[tilespmem:s17], [sflag:$0x1] =	stream.indirect.gather @!p0 [hbm4b:s0+s15], $0x80, s16, s15, $0xb8;
	[tilespmem:$0xF200] =	vst v63  }
0x23: {  	s15 =	simm.s32 $0x40;
	s16 =	simm.s32 $0x0  }
.LBB2_4:
0x24: {  	p1 =	sne.s32 s15, $0x9FC0;
	[tilespmem:s16+$0x0] =	vst v1;
	s16 =	smov.u32 s15;
	s15 =	sadd.s32 $0x40, s15  }
.Ltmp1:
0x25: {  	(pc) =	sbr.rel @p1 .LBB2_4-.Ltmp1, $2  }
0x26: {  	_ =	sdelay $0x2  }
0x27: {  	s16 =	sshra.s32 s16, $0x2  }
0x28: {  	[tilespmem:s16+$0x0] =	vst v1;
	s15 =	simm.s32 $0x0  }
0x29: {  	[tilespmem:s12], [sflag:$0x2] =	stream.linear.gather [hbm4b:s4+s15], $0x2800, $0x38;
	[tilespmem:$0xF200] =	vst v63  }
0x2a: {  	_ =	swait.ge [sflag:s13], $0x2800  }
0x2b: {  	[sflag:s13] =	ssyncset.done $0x0  }
0x2c: {  	[sflag:s13] =	ssyncadd.s32 $0xFFFFD800  }
.LBB2_6:
0x2d: {  	s16 =	sshra.s32 s15, $0x2  }
0x2e: {  	v4 =	vld [tilespmem:s16+$0x2800];
	_ =	sdelay $0x4  }
0x2f: {  	v5 =	vand.u32 $0x1, v4  }
0x30: {  	vm0 =	veq.s32 v5, $0x1  }
0x31: {  	v4 =	vshra.s32 v4, $0x1;
	v5 =	vsel vm0, $0x1400, v2  }
0x32: {  	v4 =	vadd.s32 v4, v5;
	_ =	sdelay $0x4  }
0x33: {  	[tilespmem:v4+s3+$0x0] =	vst.idx.add.f32.msk $0xffff, v3  }
0x34: {  	v4 =	vld [tilespmem:s16+$0x2810];
	_ =	sdelay $0x4  }
0x35: {  	v5 =	vand.u32 $0x1, v4  }
0x36: {  	vm9 =	veq.s32 v5, $0x1  }
0x37: {  	v4 =	vshra.s32 v4, $0x1;
	v5 =	vsel vm9, $0x1400, v2  }
0x38: {  	v4 =	vadd.s32 v4, v5;
	_ =	sdelay $0x4  }
0x39: {  	[tilespmem:v4+s3+$0x0] =	vst.idx.add.f32.msk $0xffff, v3  }
0x3a: {  	v4 =	vld [tilespmem:s16+$0x2820];
	_ =	sdelay $0x4  }
0x3b: {  	v5 =	vand.u32 $0x1, v4  }
0x3c: {  	vm10 =	veq.s32 v5, $0x1  }
0x3d: {  	v4 =	vshra.s32 v4, $0x1;
	v5 =	vsel vm10, $0x1400, v2  }
0x3e: {  	v4 =	vadd.s32 v4, v5;
	_ =	sdelay $0x4  }
0x3f: {  	[tilespmem:v4+s3+$0x0] =	vst.idx.add.f32.msk $0xffff, v3  }
0x40: {  	v4 =	vld [tilespmem:s16+$0x2830];
	_ =	sdelay $0x4  }
0x41: {  	v5 =	vand.u32 $0x1, v4  }
0x42: {  	vm11 =	veq.s32 v5, $0x1  }
0x43: {  	v4 =	vshra.s32 v4, $0x1;
	v5 =	vsel vm11, $0x1400, v2  }
0x44: {  	v4 =	vadd.s32 v4, v5;
	_ =	sdelay $0x4  }
0x45: {  	[tilespmem:v4+s3+$0x0] =	vst.idx.add.f32.msk $0xffff, v3  }
0x46: {  	v4 =	vld [tilespmem:s16+$0x2840];
	_ =	sdelay $0x4  }
0x47: {  	v5 =	vand.u32 $0x1, v4  }
0x48: {  	vm12 =	veq.s32 v5, $0x1  }
0x49: {  	v4 =	vshra.s32 v4, $0x1;
	v5 =	vsel vm12, $0x1400, v2  }
0x4a: {  	v4 =	vadd.s32 v4, v5;
	_ =	sdelay $0x4  }
0x4b: {  	[tilespmem:v4+s3+$0x0] =	vst.idx.add.f32.msk $0xffff, v3  }
0x4c: {  	v4 =	vld [tilespmem:s16+$0x2850];
	_ =	sdelay $0x4  }
0x4d: {  	v5 =	vand.u32 $0x1, v4  }
0x4e: {  	vm13 =	veq.s32 v5, $0x1  }
0x4f: {  	v4 =	vshra.s32 v4, $0x1;
	v5 =	vsel vm13, $0x1400, v2  }
0x50: {  	v4 =	vadd.s32 v4, v5;
	_ =	sdelay $0x4  }
0x51: {  	[tilespmem:v4+s3+$0x0] =	vst.idx.add.f32.msk $0xffff, v3  }
0x52: {  	v4 =	vld [tilespmem:s16+$0x2860];
	_ =	sdelay $0x4  }
0x53: {  	v5 =	vand.u32 $0x1, v4  }
0x54: {  	vm14 =	veq.s32 v5, $0x1  }
0x55: {  	v4 =	vshra.s32 v4, $0x1;
	v5 =	vsel vm14, $0x1400, v2  }
0x56: {  	v4 =	vadd.s32 v4, v5;
	_ =	sdelay $0x4  }
0x57: {  	[tilespmem:v4+s3+$0x0] =	vst.idx.add.f32.msk $0xffff, v3  }
0x58: {  	v4 =	vld [tilespmem:s16+$0x2870];
	_ =	sdelay $0x4  }
0x59: {  	v5 =	vand.u32 $0x1, v4  }
0x5a: {  	vm15 =	veq.s32 v5, $0x1  }
0x5b: {  	v4 =	vshra.s32 v4, $0x1;
	v5 =	vsel vm15, $0x1400, v2  }
0x5c: {  	p1 =	sne.s32 s15, $0x9E00;
	v4 =	vadd.s32 v4, v5  }
.Ltmp2:
0x5d: {  	_ = 	snop;
	(pc) =	sbr.rel @p1 .LBB2_6-.Ltmp2, $2  }
0x5e: {  	_ =	sdelay $0x2  }
0x5f: {  	s15 =	sadd.s32 $0x200, s15;
	[tilespmem:v4+s3+$0x0] =	vst.idx.add.f32.msk $0xffff, v3  }
0x60: {  	[hbm4b:s5+s3] =	stream.linear.scatter [tilespmem:s3], [sflag:$0x2], $0x2800, $0x38;
	[tilespmem:$0xF200] =	vst v63  }
0x61: {  	_ =	swait.ge [sflag:s13], $0x2800  }
0x62: {  	[sflag:s13] =	ssyncset.done $0x0  }
0x63: {  	s15 =	simm.s32 @p0 $0x1;
	[sflag:s13] =	ssyncadd.s32 $0xFFFFD800  }
0x64: {  	_ =	swait.ge @p0 [sflag:s15], $0x1400  }
0x65: {  	[sflag:s15] =	ssyncset.done @p0 $0x0  }
0x66: {  	[sflag:s15] =	ssyncadd.s32 @p0 $0xFFFFEC00  }
0x67: {  	_ =	swait.ge @p0 [sflag:s15], $0x1400  }
0x68: {  	[sflag:s15] =	ssyncset.done @p0 $0x0  }
0x69: {  	s16 =	simm.s32 @p0 $0x5200;
	[sflag:s15] =	ssyncadd.s32 @p0 $0xFFFFEC00;
	s15 =	simm.s32 @p0 $0x0  }
0x6a: {  	[hbm4b:s8+s15] =	stream.linear.scatter @p0 [tilespmem:s16], [sflag:$0x2], $0x1400, $0x38;
	[tilespmem:$0xF200] =	vst v63  }
0x6b: {  	s16 =	simm.s32 @p0 $0x2  }
0x6c: {  	_ =	swait.ge @p0 [sflag:s16], $0x1400  }
0x6d: {  	[sflag:s16] =	ssyncset.done @p0 $0x0  }
0x6e: {  	s17 =	simm.s32 @p0 $0xA200;
	[sflag:s16] =	ssyncadd.s32 @p0 $0xFFFFEC00  }
0x6f: {  	[hbm4b:s9+s15] =	stream.linear.scatter @p0 [tilespmem:s17], [sflag:$0x2], $0x1400, $0x38;
	[tilespmem:$0xF200] =	vst v63  }
0x70: {  	_ =	swait.ge @p0 [sflag:s16], $0x1400  }
0x71: {  	[sflag:s16] =	ssyncset.done @p0 $0x0  }
0x72: {  	s15 =	simm.s32 @!p0 $0x1;
	[sflag:s16] =	ssyncadd.s32 @p0 $0xFFFFEC00  }
0x73: {  	_ =	swait.ge @!p0 [sflag:s15], $0x5000  }
0x74: {  	[sflag:s15] =	ssyncset.done @!p0 $0x0  }
0x75: {  	[sflag:s15] =	ssyncadd.s32 @!p0 $0xFFFFB000  }
0x76: {  	_ =	swait.ge @!p0 [sflag:s15], $0x5000  }
0x77: {  	[sflag:s15] =	ssyncset.done @!p0 $0x0  }
0x78: {  	s16 =	simm.s32 @!p0 $0x5200;
	[sflag:s15] =	ssyncadd.s32 @!p0 $0xFFFFB000;
	s15 =	simm.s32 @!p0 $0x0  }
0x79: {  	[hbm4b:s6+s15] =	stream.linear.scatter @!p0 [tilespmem:s16], [sflag:$0x2], $0x5000, $0x38;
	[tilespmem:$0xF200] =	vst v63  }
0x7a: {  	s16 =	simm.s32 @!p0 $0x2  }
0x7b: {  	s14 =	sadd.s32 $0x1, s14;
	_ =	swait.ge @!p0 [sflag:s16], $0x5000  }
0x7c: {  	p1 =	sne.s32 s14, s10;
	[sflag:s16] =	ssyncset.done @!p0 $0x0  }
.Ltmp3:
0x7d: {  	s17 =	simm.s32 @!p0 $0xA200;
	[sflag:s16] =	ssyncadd.s32 @!p0 $0xFFFFB000;
	(pc) =	sbr.rel @p1 .LBB2_1-.Ltmp3, $4  }
0x7e: {  	[hbm4b:s7+s15] =	stream.linear.scatter @!p0 [tilespmem:s17], [sflag:$0x2], $0x5000, $0x38;
	[tilespmem:$0xF200] =	vst v63  }
0x7f: {  	_ =	swait.ge @!p0 [sflag:s16], $0x5000  }
0x80: {  	[sflag:s16] =	ssyncset.done @!p0 $0x0  }
0x81: {  	[sflag:s16] =	ssyncadd.s32 @!p0 $0xFFFFB000  }
0x82: {  	_ =	sfence.sel $0x180000  }
0x83: {  	[bflag:$0x0] =	sbarrier.arrive $0xFFFF  }
0x84: {  	p0 =	sne.s32 s1, $0x0;
	_ =	strace $0x90000047  }
0x85: {  	s0 =	sadd.s32 @!p0 $0x100000, s2;
	[bflag:$0x2] =	sbarrier.arrive $0xFFFF  }
0x86: {  	[sflag:s0] =	ssyncadd.tile.s32 @!p0 $0x1;
	_ =	shalt  }
.Lfunc_end2:
_tile_overlayer_lowered:
.L_overlay_start_2:
0x87: {  	(tag) =	ssettag $0x2  }
0x88: {  	s0 =	rddreg [dreg:$0x0];
	s2 =	stileid.u32  }
0x89: {  	s1 =	rddreg [dreg:$0x1];
	p0 =	sne.s32 s2, $0x0  }
0x8a: {  	s3 =	rddreg [dreg:$0x2];
	[bflag:$0x3] =	sbarrier.arrive $0xFFFF;
	s2 =	simm.s32 @!p0 $0x1C02  }
0x8b: {  	[timem:s3], [sflag:s2] =	dma.local @!p0 [hbm:s0], s1  }
0x8c: {  	s0 =	simm.s32 @!p0 $0x2  }
0x8d: {  	_ =	swait.ge @!p0 [sflag:s0], s1  }
0x8e: {  	s1 =	ssub.s32 @!p0 $0x0, s1;
	[sflag:s0] =	ssyncset.done @!p0 $0x0  }
0x8f: {  	[sflag:s0] =	ssyncadd.s32 @!p0 s1  }
0x90: {  	[bflag:$0x3] =	sbarrier.arrive $0xFFFF  }
0x91: {  	_ =	shalt  }

</sc_bundles>
